<compile_context>
chip_gen: v7x
topology: tpu7x:2x2x1
jax: 0.10.2.dev20260603
libtpu: 0.0.44.dev20260713+nightly
codegen_flags: <defaults>
</compile_context>

<pallas_src>
import functools

import jax
import jax.numpy as jnp
from jax import lax
from jax.experimental import pallas as pl
from jax.experimental.pallas import tpu as pltpu
from jax.experimental.pallas import tpu_sc as plsc

_D = 4096
_B = 16384
_NW = 32
_CHUNK = 8
_NBUF = 3
_NCH = _B // (_NW * _CHUNK)
_NOUT = _NCH // _NBUF


def _build():
    mesh = plsc.VectorSubcoreMesh(core_axis_name="c", subcore_axis_name="s")

    @functools.partial(
        pl.kernel,
        mesh=mesh,
        out_type=jax.ShapeDtypeStruct((_B, _D), jnp.float32),
        scratch_types=(
            [pltpu.VMEM((_NCH, _CHUNK), jnp.int32)]
            + [pltpu.VMEM((_CHUNK, _D), jnp.float32) for _ in range(_NBUF)]
            + [pltpu.SemaphoreType.DMA for _ in range(2 * _NBUF)]
        ),
    )
    def emb(table_hbm, idx_hbm, out_hbm, idx_v, *rest):
        bufs = rest[:_NBUF]
        gsems = rest[_NBUF:2 * _NBUF]
        ssems = rest[2 * _NBUF:]

        wid = lax.axis_index("s") * 2 + lax.axis_index("c")
        chunk0 = wid * _NCH
        row0 = chunk0 * _CHUNK

        pltpu.sync_copy(idx_hbm.at[pl.ds(chunk0, _NCH)], idx_v)

        def start_gather(g, b):
            pltpu.async_copy(table_hbm.at[idx_v.at[g]], bufs[b], gsems[b])

        def wait_gather(b):
            pltpu.make_async_copy(table_hbm.at[pl.ds(0, _CHUNK)], bufs[b],
                                  gsems[b]).wait()

        def start_scatter(g, b):
            pltpu.async_copy(bufs[b],
                             out_hbm.at[pl.ds(row0 + g * _CHUNK, _CHUNK)],
                             ssems[b])

        def wait_scatter(b):
            pltpu.make_async_copy(bufs[b], out_hbm.at[pl.ds(0, _CHUNK)],
                                  ssems[b]).wait()

        start_gather(0, 0)
        start_gather(1, 1)

        def visit(g, b):
            wait_gather(b)
            start_scatter(g, b)
            b2 = (b + 2) % _NBUF

            @pl.when(g + 2 < _NCH)
            def _():
                @pl.when(g >= 1)
                def _():
                    wait_scatter(b2)
                start_gather(g + 2, b2)

        def body(i, carry):
            for b in range(_NBUF):
                visit(i * _NBUF + b, b)
            return carry

        lax.fori_loop(0, _NOUT, body, 0)

        for r in range(_NOUT * _NBUF, _NCH):
            wait_gather(r % _NBUF)
            start_scatter(r, r % _NBUF)

        for b in range(_NBUF):
            wait_scatter(b)

    return emb


_EMB = _build()


def kernel(prompt, weight):
    idx = prompt.reshape(-1).astype(jnp.int32).reshape(_B // _CHUNK, _CHUNK)
    out = _EMB(weight, idx)
    return out.reshape(prompt.shape[0], prompt.shape[1], _D)

# --- scband reference (transcript-rebuilt; emitter-appended) ---
"""Pipeline reference for scband-token-embeddings-33809982554141 (READ-ONLY COPY).

The authoritative reference and input builder live on the scoring server;
editing this copy changes nothing except your own understanding.
"""

import jax, jax.numpy as jnp
import numpy as np

VOCAB_SIZE = 32128
EMBED_DIM = 4096
BATCH = 64
SEQ_LEN = 256

def setup_inputs(seed: int = 0) -> dict:
    key = jax.random.key(seed)
    k_idx, k_w = jax.random.split(key)
    prompt = jax.random.randint(k_idx, (BATCH, SEQ_LEN), 0, VOCAB_SIZE, dtype=jnp.int64 if jax.config.jax_enable_x64 else jnp.int32)
    weight = jax.random.normal(k_w, (VOCAB_SIZE, EMBED_DIM), dtype=jnp.float32) * (1.0 / np.sqrt(EMBED_DIM))
    return {"prompt": prompt, "weight": weight}

def reference(prompt, weight):
    # Faithful translation of ttnn.embedding(prompt, weight): row gather from the table.
    return jnp.take(weight, prompt, axis=0)

if __name__ == "__main__":
    import jax
    _d = setup_inputs()
    print(jax.jit(kernel)(*tuple(_d.values())))

</pallas_src>

<mosaic_0001>
#map = affine_map<(d0, d1) -> (0, 0)>
module attributes {stable_mosaic.version = 14 : i64} {
  func.func @emb(%arg0: i32, %arg1: i32, %arg2: memref<32128x4096xf32, #tpu.memory_space<hbm>>, %arg3: memref<2048x8xi32, #tpu.memory_space<hbm>>, %arg4: memref<16384x4096xf32, #tpu.memory_space<hbm>>, %arg5: memref<64x8xi32, #tpu.memory_space<vmem>>, %arg6: memref<8x4096xf32, #tpu.memory_space<vmem>>, %arg7: memref<8x4096xf32, #tpu.memory_space<vmem>>, %arg8: memref<8x4096xf32, #tpu.memory_space<vmem>>, %arg9: memref<!tpu.dma_semaphore, #tpu.memory_space<semaphore_mem>>, %arg10: memref<!tpu.dma_semaphore, #tpu.memory_space<semaphore_mem>>, %arg11: memref<!tpu.dma_semaphore, #tpu.memory_space<semaphore_mem>>, %arg12: memref<!tpu.dma_semaphore, #tpu.memory_space<semaphore_mem>>, %arg13: memref<!tpu.dma_semaphore, #tpu.memory_space<semaphore_mem>>, %arg14: memref<!tpu.dma_semaphore, #tpu.memory_space<semaphore_mem>>) attributes {dimension_semantics = [#tpu.dimension_semantics<core_parallel>, #tpu.dimension_semantics<subcore_parallel>], iteration_bounds = array<i64: 2, 16>, scalar_prefetch = 0 : i64, scratch_operands = 10 : i64, tpu.core_type = #tpu.core_type<sc_vector_subcore>, window_params = [{transform_indices = #map}, {transform_indices = #map}, {transform_indices = #map}]} {
    %mul3A = arith.constant 2 : i32
    %mul3A_0 = arith.muli %arg1, %mul3A : i32
    %add3A = arith.addi %mul3A_0, %arg0 : i32
    %mul3A_1 = arith.constant 64 : i32
    %mul3A_2 = arith.muli %add3A, %mul3A_1 : i32
    %mul3A_3 = arith.constant 8 : i32
    %mul3A_4 = arith.muli %mul3A_2, %mul3A_3 : i32
    "tpu.region"() ({
      %run_scoped3A = tpu.sem_alloc : memref<!tpu.dma_semaphore, #tpu.memory_space<semaphore_mem>>
      %dma_start3A_52 = arith.constant 0 : i32
      %dma_start3A_53 = tpu.memref_slice %arg3[%mul3A_2, %dma_start3A_52] : memref<2048x8xi32, #tpu.memory_space<hbm>> -> memref<64x8xi32, #tpu.memory_space<hbm>>
      %dma_start3A_54 = arith.constant 0 : i32
      %dma_start3A_55 = tpu.memref_slice %arg3[%mul3A_2, %dma_start3A_54] : memref<2048x8xi32, #tpu.memory_space<hbm>> -> memref<64x8xi32, #tpu.memory_space<hbm>>
      tpu.enqueue_dma source(%dma_start3A_55 : memref<64x8xi32, #tpu.memory_space<hbm>>) target(%arg5 : memref<64x8xi32, #tpu.memory_space<vmem>>) target_semaphore(%run_scoped3A : memref<!tpu.dma_semaphore, #tpu.memory_space<semaphore_mem>>)
      %dma_wait3A_56 = arith.constant 0 : i32
      %dma_wait3A_57 = tpu.memref_slice %arg3[%mul3A_2, %dma_wait3A_56] : memref<2048x8xi32, #tpu.memory_space<hbm>> -> memref<64x8xi32, #tpu.memory_space<hbm>>
      %dma_wait3A_58 = arith.constant 0 : i32
      %dma_wait3A_59 = tpu.memref_slice %arg3[%mul3A_2, %dma_wait3A_58] : memref<2048x8xi32, #tpu.memory_space<hbm>> -> memref<64x8xi32, #tpu.memory_space<hbm>>
      tpu.wait_dma2 semaphore(%run_scoped3A : memref<!tpu.dma_semaphore, #tpu.memory_space<semaphore_mem>>) src(%dma_wait3A_59 : memref<64x8xi32, #tpu.memory_space<hbm>>) dst(%arg5 : memref<64x8xi32, #tpu.memory_space<vmem>>)
      tpu.yield
    }) : () -> ()
    %dma_start3A = arith.constant 0 : i32
    %dma_start3A_5 = arith.constant 0 : i32
    %dma_start3A_6 = tpu.memref_slice %arg5[%dma_start3A, %dma_start3A_5] : memref<64x8xi32, #tpu.memory_space<vmem>> -> memref<1x8xi32, #tpu.memory_space<vmem>>
    %dma_start3A_7 = tpu.memref_squeeze %dma_start3A_6 : memref<1x8xi32, #tpu.memory_space<vmem>> -> memref<8xi32, #tpu.memory_space<vmem>>
    %dma_start3A_8 = arith.constant 0 : i32
    %dma_start3A_9 = arith.constant 0 : i32
    %dma_start3A_10 = tpu.memref_slice %arg2[%dma_start3A_8, %dma_start3A_9] : memref<32128x4096xf32, #tpu.memory_space<hbm>> -> memref<32128x4096xf32, #tpu.memory_space<hbm>>
    tpu.enqueue_indirect_dma source(%dma_start3A_10 : memref<32128x4096xf32, #tpu.memory_space<hbm>>) target(%arg6 : memref<8x4096xf32, #tpu.memory_space<vmem>>) offsets(%dma_start3A_7 : memref<8xi32, #tpu.memory_space<vmem>>) semaphore(%arg9 : memref<!tpu.dma_semaphore, #tpu.memory_space<semaphore_mem>>)
    %dma_start3A_11 = arith.constant 1 : i32
    %dma_start3A_12 = arith.constant 0 : i32
    %dma_start3A_13 = tpu.memref_slice %arg5[%dma_start3A_11, %dma_start3A_12] : memref<64x8xi32, #tpu.memory_space<vmem>> -> memref<1x8xi32, #tpu.memory_space<vmem>>
    %dma_start3A_14 = tpu.memref_squeeze %dma_start3A_13 : memref<1x8xi32, #tpu.memory_space<vmem>> -> memref<8xi32, #tpu.memory_space<vmem>>
    %dma_start3A_15 = arith.constant 0 : i32
    %dma_start3A_16 = arith.constant 0 : i32
    %dma_start3A_17 = tpu.memref_slice %arg2[%dma_start3A_15, %dma_start3A_16] : memref<32128x4096xf32, #tpu.memory_space<hbm>> -> memref<32128x4096xf32, #tpu.memory_space<hbm>>
    tpu.enqueue_indirect_dma source(%dma_start3A_17 : memref<32128x4096xf32, #tpu.memory_space<hbm>>) target(%arg7 : memref<8x4096xf32, #tpu.memory_space<vmem>>) offsets(%dma_start3A_14 : memref<8xi32, #tpu.memory_space<vmem>>) semaphore(%arg10 : memref<!tpu.dma_semaphore, #tpu.memory_space<semaphore_mem>>)
    %scan3A = arith.constant 0 : i32
    %scan3A_18 = arith.constant 0 : i32
    %scan3A_19 = arith.constant 21 : i32
    %scan3A_20 = arith.addi %scan3A_18, %scan3A_19 : i32
    %scan3A_21 = arith.constant 1 : i32
    scf.for %scan3A_52 = %scan3A_18 to %scan3A_20 step %scan3A_21  : i32 {
      %mul3A_53 = arith.constant 3 : i32
      %mul3A_54 = arith.muli %scan3A_52, %mul3A_53 : i32
      %add3A_55 = arith.constant 0 : i32
      %add3A_56 = arith.addi %mul3A_54, %add3A_55 : i32
      %dma_wait3A_57 = arith.constant 0 : i32
      %dma_wait3A_58 = arith.constant 0 : i32
      %dma_wait3A_59 = tpu.memref_slice %arg2[%dma_wait3A_57, %dma_wait3A_58] : memref<32128x4096xf32, #tpu.memory_space<hbm>> -> memref<8x4096xf32, #tpu.memory_space<hbm>>
      %dma_wait3A_60 = arith.constant 0 : i32
      %dma_wait3A_61 = arith.constant 0 : i32
      %dma_wait3A_62 = tpu.memref_slice %arg2[%dma_wait3A_60, %dma_wait3A_61] : memref<32128x4096xf32, #tpu.memory_space<hbm>> -> memref<8x4096xf32, #tpu.memory_space<hbm>>
      tpu.wait_dma2 semaphore(%arg9 : memref<!tpu.dma_semaphore, #tpu.memory_space<semaphore_mem>>) src(%dma_wait3A_62 : memref<8x4096xf32, #tpu.memory_space<hbm>>) dst(%arg6 : memref<8x4096xf32, #tpu.memory_space<vmem>>)
      %mul3A_63 = arith.constant 8 : i32
      %mul3A_64 = arith.muli %add3A_56, %mul3A_63 : i32
      %add3A_65 = arith.addi %mul3A_4, %mul3A_64 : i32
      %dma_start3A_66 = arith.constant 0 : i32
      %dma_start3A_67 = tpu.memref_slice %arg4[%add3A_65, %dma_start3A_66] : memref<16384x4096xf32, #tpu.memory_space<hbm>> -> memref<8x4096xf32, #tpu.memory_space<hbm>>
      %dma_start3A_68 = arith.constant 0 : i32
      %dma_start3A_69 = tpu.memref_slice %arg4[%add3A_65, %dma_start3A_68] : memref<16384x4096xf32, #tpu.memory_space<hbm>> -> memref<8x4096xf32, #tpu.memory_space<hbm>>
      tpu.enqueue_dma source(%arg6 : memref<8x4096xf32, #tpu.memory_space<vmem>>) target(%dma_start3A_69 : memref<8x4096xf32, #tpu.memory_space<hbm>>) target_semaphore(%arg12 : memref<!tpu.dma_semaphore, #tpu.memory_space<semaphore_mem>>)
      %add3A_70 = arith.constant 2 : i32
      %add3A_71 = arith.addi %add3A_56, %add3A_70 : i32
      %lt3A = arith.constant 64 : i32
      %lt3A_72 = arith.cmpi slt, %add3A_71, %lt3A : i32
      %convert_element_type3A = arith.extui %lt3A_72 : i1 to i32
      %cond3A = arith.constant 0 : i32
      %cond3A_73 = arith.cmpi ne, %convert_element_type3A, %cond3A : i32
      scf.if %cond3A_73 {
        %ge3A = arith.constant 1 : i32
        %ge3A_122 = arith.cmpi sge, %add3A_56, %ge3A : i32
        %convert_element_type3A_123 = arith.extui %ge3A_122 : i1 to i32
        %cond3A_124 = arith.constant 0 : i32
        %cond3A_125 = arith.cmpi ne, %convert_element_type3A_123, %cond3A_124 : i32
        scf.if %cond3A_125 {
          %dma_wait3A_134 = arith.constant 0 : i32
          %dma_wait3A_135 = arith.constant 0 : i32
          %dma_wait3A_136 = tpu.memref_slice %arg4[%dma_wait3A_134, %dma_wait3A_135] : memref<16384x4096xf32, #tpu.memory_space<hbm>> -> memref<8x4096xf32, #tpu.memory_space<hbm>>
          %dma_wait3A_137 = arith.constant 0 : i32
          %dma_wait3A_138 = arith.constant 0 : i32
          %dma_wait3A_139 = tpu.memref_slice %arg4[%dma_wait3A_137, %dma_wait3A_138] : memref<16384x4096xf32, #tpu.memory_space<hbm>> -> memref<8x4096xf32, #tpu.memory_space<hbm>>
          tpu.wait_dma2 semaphore(%arg14 : memref<!tpu.dma_semaphore, #tpu.memory_space<semaphore_mem>>) src(%arg8 : memref<8x4096xf32, #tpu.memory_space<vmem>>) dst(%dma_wait3A_139 : memref<8x4096xf32, #tpu.memory_space<hbm>>)
        } else {
        }
        %add3A_126 = arith.constant 2 : i32
        %add3A_127 = arith.addi %add3A_56, %add3A_126 : i32
        %dma_start3A_128 = arith.constant 0 : i32
        %dma_start3A_129 = tpu.memref_slice %arg5[%add3A_127, %dma_start3A_128] : memref<64x8xi32, #tpu.memory_space<vmem>> -> memref<1x8xi32, #tpu.memory_space<vmem>>
        %dma_start3A_130 = tpu.memref_squeeze %dma_start3A_129 : memref<1x8xi32, #tpu.memory_space<vmem>> -> memref<8xi32, #tpu.memory_space<vmem>>
        %dma_start3A_131 = arith.constant 0 : i32
        %dma_start3A_132 = arith.constant 0 : i32
        %dma_start3A_133 = tpu.memref_slice %arg2[%dma_start3A_131, %dma_start3A_132] : memref<32128x4096xf32, #tpu.memory_space<hbm>> -> memref<32128x4096xf32, #tpu.memory_space<hbm>>
        tpu.enqueue_indirect_dma source(%dma_start3A_133 : memref<32128x4096xf32, #tpu.memory_space<hbm>>) target(%arg8 : memref<8x4096xf32, #tpu.memory_space<vmem>>) offsets(%dma_start3A_130 : memref<8xi32, #tpu.memory_space<vmem>>) semaphore(%arg11 : memref<!tpu.dma_semaphore, #tpu.memory_space<semaphore_mem>>)
      } else {
      }
      %mul3A_74 = arith.constant 3 : i32
      %mul3A_75 = arith.muli %scan3A_52, %mul3A_74 : i32
      %add3A_76 = arith.constant 1 : i32
      %add3A_77 = arith.addi %mul3A_75, %add3A_76 : i32
      %dma_wait3A_78 = arith.constant 0 : i32
      %dma_wait3A_79 = arith.constant 0 : i32
      %dma_wait3A_80 = tpu.memref_slice %arg2[%dma_wait3A_78, %dma_wait3A_79] : memref<32128x4096xf32, #tpu.memory_space<hbm>> -> memref<8x4096xf32, #tpu.memory_space<hbm>>
      %dma_wait3A_81 = arith.constant 0 : i32
      %dma_wait3A_82 = arith.constant 0 : i32
      %dma_wait3A_83 = tpu.memref_slice %arg2[%dma_wait3A_81, %dma_wait3A_82] : memref<32128x4096xf32, #tpu.memory_space<hbm>> -> memref<8x4096xf32, #tpu.memory_space<hbm>>
      tpu.wait_dma2 semaphore(%arg10 : memref<!tpu.dma_semaphore, #tpu.memory_space<semaphore_mem>>) src(%dma_wait3A_83 : memref<8x4096xf32, #tpu.memory_space<hbm>>) dst(%arg7 : memref<8x4096xf32, #tpu.memory_space<vmem>>)
      %mul3A_84 = arith.constant 8 : i32
      %mul3A_85 = arith.muli %add3A_77, %mul3A_84 : i32
      %add3A_86 = arith.addi %mul3A_4, %mul3A_85 : i32
      %dma_start3A_87 = arith.constant 0 : i32
      %dma_start3A_88 = tpu.memref_slice %arg4[%add3A_86, %dma_start3A_87] : memref<16384x4096xf32, #tpu.memory_space<hbm>> -> memref<8x4096xf32, #tpu.memory_space<hbm>>
      %dma_start3A_89 = arith.constant 0 : i32
      %dma_start3A_90 = tpu.memref_slice %arg4[%add3A_86, %dma_start3A_89] : memref<16384x4096xf32, #tpu.memory_space<hbm>> -> memref<8x4096xf32, #tpu.memory_space<hbm>>
      tpu.enqueue_dma source(%arg7 : memref<8x4096xf32, #tpu.memory_space<vmem>>) target(%dma_start3A_90 : memref<8x4096xf32, #tpu.memory_space<hbm>>) target_semaphore(%arg13 : memref<!tpu.dma_semaphore, #tpu.memory_space<semaphore_mem>>)
      %add3A_91 = arith.constant 2 : i32
      %add3A_92 = arith.addi %add3A_77, %add3A_91 : i32
      %lt3A_93 = arith.constant 64 : i32
      %lt3A_94 = arith.cmpi slt, %add3A_92, %lt3A_93 : i32
      %convert_element_type3A_95 = arith.extui %lt3A_94 : i1 to i32
      %cond3A_96 = arith.constant 0 : i32
      %cond3A_97 = arith.cmpi ne, %convert_element_type3A_95, %cond3A_96 : i32
      scf.if %cond3A_97 {
        %ge3A = arith.constant 1 : i32
        %ge3A_122 = arith.cmpi sge, %add3A_77, %ge3A : i32
        %convert_element_type3A_123 = arith.extui %ge3A_122 : i1 to i32
        %cond3A_124 = arith.constant 0 : i32
        %cond3A_125 = arith.cmpi ne, %convert_element_type3A_123, %cond3A_124 : i32
        scf.if %cond3A_125 {
          %dma_wait3A_134 = arith.constant 0 : i32
          %dma_wait3A_135 = arith.constant 0 : i32
          %dma_wait3A_136 = tpu.memref_slice %arg4[%dma_wait3A_134, %dma_wait3A_135] : memref<16384x4096xf32, #tpu.memory_space<hbm>> -> memref<8x4096xf32, #tpu.memory_space<hbm>>
          %dma_wait3A_137 = arith.constant 0 : i32
          %dma_wait3A_138 = arith.constant 0 : i32
          %dma_wait3A_139 = tpu.memref_slice %arg4[%dma_wait3A_137, %dma_wait3A_138] : memref<16384x4096xf32, #tpu.memory_space<hbm>> -> memref<8x4096xf32, #tpu.memory_space<hbm>>
          tpu.wait_dma2 semaphore(%arg12 : memref<!tpu.dma_semaphore, #tpu.memory_space<semaphore_mem>>) src(%arg6 : memref<8x4096xf32, #tpu.memory_space<vmem>>) dst(%dma_wait3A_139 : memref<8x4096xf32, #tpu.memory_space<hbm>>)
        } else {
        }
        %add3A_126 = arith.constant 2 : i32
        %add3A_127 = arith.addi %add3A_77, %add3A_126 : i32
        %dma_start3A_128 = arith.constant 0 : i32
        %dma_start3A_129 = tpu.memref_slice %arg5[%add3A_127, %dma_start3A_128] : memref<64x8xi32, #tpu.memory_space<vmem>> -> memref<1x8xi32, #tpu.memory_space<vmem>>
        %dma_start3A_130 = tpu.memref_squeeze %dma_start3A_129 : memref<1x8xi32, #tpu.memory_space<vmem>> -> memref<8xi32, #tpu.memory_space<vmem>>
        %dma_start3A_131 = arith.constant 0 : i32
        %dma_start3A_132 = arith.constant 0 : i32
        %dma_start3A_133 = tpu.memref_slice %arg2[%dma_start3A_131, %dma_start3A_132] : memref<32128x4096xf32, #tpu.memory_space<hbm>> -> memref<32128x4096xf32, #tpu.memory_space<hbm>>
        tpu.enqueue_indirect_dma source(%dma_start3A_133 : memref<32128x4096xf32, #tpu.memory_space<hbm>>) target(%arg6 : memref<8x4096xf32, #tpu.memory_space<vmem>>) offsets(%dma_start3A_130 : memref<8xi32, #tpu.memory_space<vmem>>) semaphore(%arg9 : memref<!tpu.dma_semaphore, #tpu.memory_space<semaphore_mem>>)
      } else {
      }
      %mul3A_98 = arith.constant 3 : i32
      %mul3A_99 = arith.muli %scan3A_52, %mul3A_98 : i32
      %add3A_100 = arith.constant 2 : i32
      %add3A_101 = arith.addi %mul3A_99, %add3A_100 : i32
      %dma_wait3A_102 = arith.constant 0 : i32
      %dma_wait3A_103 = arith.constant 0 : i32
      %dma_wait3A_104 = tpu.memref_slice %arg2[%dma_wait3A_102, %dma_wait3A_103] : memref<32128x4096xf32, #tpu.memory_space<hbm>> -> memref<8x4096xf32, #tpu.memory_space<hbm>>
      %dma_wait3A_105 = arith.constant 0 : i32
      %dma_wait3A_106 = arith.constant 0 : i32
      %dma_wait3A_107 = tpu.memref_slice %arg2[%dma_wait3A_105, %dma_wait3A_106] : memref<32128x4096xf32, #tpu.memory_space<hbm>> -> memref<8x4096xf32, #tpu.memory_space<hbm>>
      tpu.wait_dma2 semaphore(%arg11 : memref<!tpu.dma_semaphore, #tpu.memory_space<semaphore_mem>>) src(%dma_wait3A_107 : memref<8x4096xf32, #tpu.memory_space<hbm>>) dst(%arg8 : memref<8x4096xf32, #tpu.memory_space<vmem>>)
      %mul3A_108 = arith.constant 8 : i32
      %mul3A_109 = arith.muli %add3A_101, %mul3A_108 : i32
      %add3A_110 = arith.addi %mul3A_4, %mul3A_109 : i32
      %dma_start3A_111 = arith.constant 0 : i32
      %dma_start3A_112 = tpu.memref_slice %arg4[%add3A_110, %dma_start3A_111] : memref<16384x4096xf32, #tpu.memory_space<hbm>> -> memref<8x4096xf32, #tpu.memory_space<hbm>>
      %dma_start3A_113 = arith.constant 0 : i32
      %dma_start3A_114 = tpu.memref_slice %arg4[%add3A_110, %dma_start3A_113] : memref<16384x4096xf32, #tpu.memory_space<hbm>> -> memref<8x4096xf32, #tpu.memory_space<hbm>>
      tpu.enqueue_dma source(%arg8 : memref<8x4096xf32, #tpu.memory_space<vmem>>) target(%dma_start3A_114 : memref<8x4096xf32, #tpu.memory_space<hbm>>) target_semaphore(%arg14 : memref<!tpu.dma_semaphore, #tpu.memory_space<semaphore_mem>>)
      %add3A_115 = arith.constant 2 : i32
      %add3A_116 = arith.addi %add3A_101, %add3A_115 : i32
      %lt3A_117 = arith.constant 64 : i32
      %lt3A_118 = arith.cmpi slt, %add3A_116, %lt3A_117 : i32
      %convert_element_type3A_119 = arith.extui %lt3A_118 : i1 to i32
      %cond3A_120 = arith.constant 0 : i32
      %cond3A_121 = arith.cmpi ne, %convert_element_type3A_119, %cond3A_120 : i32
      scf.if %cond3A_121 {
        %ge3A = arith.constant 1 : i32
        %ge3A_122 = arith.cmpi sge, %add3A_101, %ge3A : i32
        %convert_element_type3A_123 = arith.extui %ge3A_122 : i1 to i32
        %cond3A_124 = arith.constant 0 : i32
        %cond3A_125 = arith.cmpi ne, %convert_element_type3A_123, %cond3A_124 : i32
        scf.if %cond3A_125 {
          %dma_wait3A_134 = arith.constant 0 : i32
          %dma_wait3A_135 = arith.constant 0 : i32
          %dma_wait3A_136 = tpu.memref_slice %arg4[%dma_wait3A_134, %dma_wait3A_135] : memref<16384x4096xf32, #tpu.memory_space<hbm>> -> memref<8x4096xf32, #tpu.memory_space<hbm>>
          %dma_wait3A_137 = arith.constant 0 : i32
          %dma_wait3A_138 = arith.constant 0 : i32
          %dma_wait3A_139 = tpu.memref_slice %arg4[%dma_wait3A_137, %dma_wait3A_138] : memref<16384x4096xf32, #tpu.memory_space<hbm>> -> memref<8x4096xf32, #tpu.memory_space<hbm>>
          tpu.wait_dma2 semaphore(%arg13 : memref<!tpu.dma_semaphore, #tpu.memory_space<semaphore_mem>>) src(%arg7 : memref<8x4096xf32, #tpu.memory_space<vmem>>) dst(%dma_wait3A_139 : memref<8x4096xf32, #tpu.memory_space<hbm>>)
        } else {
        }
        %add3A_126 = arith.constant 2 : i32
        %add3A_127 = arith.addi %add3A_101, %add3A_126 : i32
        %dma_start3A_128 = arith.constant 0 : i32
        %dma_start3A_129 = tpu.memref_slice %arg5[%add3A_127, %dma_start3A_128] : memref<64x8xi32, #tpu.memory_space<vmem>> -> memref<1x8xi32, #tpu.memory_space<vmem>>
        %dma_start3A_130 = tpu.memref_squeeze %dma_start3A_129 : memref<1x8xi32, #tpu.memory_space<vmem>> -> memref<8xi32, #tpu.memory_space<vmem>>
        %dma_start3A_131 = arith.constant 0 : i32
        %dma_start3A_132 = arith.constant 0 : i32
        %dma_start3A_133 = tpu.memref_slice %arg2[%dma_start3A_131, %dma_start3A_132] : memref<32128x4096xf32, #tpu.memory_space<hbm>> -> memref<32128x4096xf32, #tpu.memory_space<hbm>>
        tpu.enqueue_indirect_dma source(%dma_start3A_133 : memref<32128x4096xf32, #tpu.memory_space<hbm>>) target(%arg7 : memref<8x4096xf32, #tpu.memory_space<vmem>>) offsets(%dma_start3A_130 : memref<8xi32, #tpu.memory_space<vmem>>) semaphore(%arg10 : memref<!tpu.dma_semaphore, #tpu.memory_space<semaphore_mem>>)
      } else {
      }
    }
    %scan3A_22 = arith.constant 21 : i32
    %dma_wait3A = arith.constant 0 : i32
    %dma_wait3A_23 = arith.constant 0 : i32
    %dma_wait3A_24 = tpu.memref_slice %arg2[%dma_wait3A, %dma_wait3A_23] : memref<32128x4096xf32, #tpu.memory_space<hbm>> -> memref<8x4096xf32, #tpu.memory_space<hbm>>
    %dma_wait3A_25 = arith.constant 0 : i32
    %dma_wait3A_26 = arith.constant 0 : i32
    %dma_wait3A_27 = tpu.memref_slice %arg2[%dma_wait3A_25, %dma_wait3A_26] : memref<32128x4096xf32, #tpu.memory_space<hbm>> -> memref<8x4096xf32, #tpu.memory_space<hbm>>
    tpu.wait_dma2 semaphore(%arg9 : memref<!tpu.dma_semaphore, #tpu.memory_space<semaphore_mem>>) src(%dma_wait3A_27 : memref<8x4096xf32, #tpu.memory_space<hbm>>) dst(%arg6 : memref<8x4096xf32, #tpu.memory_space<vmem>>)
    %add3A_28 = arith.constant 504 : i32
    %add3A_29 = arith.addi %mul3A_4, %add3A_28 : i32
    %dma_start3A_30 = arith.constant 0 : i32
    %dma_start3A_31 = tpu.memref_slice %arg4[%add3A_29, %dma_start3A_30] : memref<16384x4096xf32, #tpu.memory_space<hbm>> -> memref<8x4096xf32, #tpu.memory_space<hbm>>
    %dma_start3A_32 = arith.constant 0 : i32
    %dma_start3A_33 = tpu.memref_slice %arg4[%add3A_29, %dma_start3A_32] : memref<16384x4096xf32, #tpu.memory_space<hbm>> -> memref<8x4096xf32, #tpu.memory_space<hbm>>
    tpu.enqueue_dma source(%arg6 : memref<8x4096xf32, #tpu.memory_space<vmem>>) target(%dma_start3A_33 : memref<8x4096xf32, #tpu.memory_space<hbm>>) target_semaphore(%arg12 : memref<!tpu.dma_semaphore, #tpu.memory_space<semaphore_mem>>)
    %dma_wait3A_34 = arith.constant 0 : i32
    %dma_wait3A_35 = arith.constant 0 : i32
    %dma_wait3A_36 = tpu.memref_slice %arg4[%dma_wait3A_34, %dma_wait3A_35] : memref<16384x4096xf32, #tpu.memory_space<hbm>> -> memref<8x4096xf32, #tpu.memory_space<hbm>>
    %dma_wait3A_37 = arith.constant 0 : i32
    %dma_wait3A_38 = arith.constant 0 : i32
    %dma_wait3A_39 = tpu.memref_slice %arg4[%dma_wait3A_37, %dma_wait3A_38] : memref<16384x4096xf32, #tpu.memory_space<hbm>> -> memref<8x4096xf32, #tpu.memory_space<hbm>>
    tpu.wait_dma2 semaphore(%arg12 : memref<!tpu.dma_semaphore, #tpu.memory_space<semaphore_mem>>) src(%arg6 : memref<8x4096xf32, #tpu.memory_space<vmem>>) dst(%dma_wait3A_39 : memref<8x4096xf32, #tpu.memory_space<hbm>>)
    %dma_wait3A_40 = arith.constant 0 : i32
    %dma_wait3A_41 = arith.constant 0 : i32
    %dma_wait3A_42 = tpu.memref_slice %arg4[%dma_wait3A_40, %dma_wait3A_41] : memref<16384x4096xf32, #tpu.memory_space<hbm>> -> memref<8x4096xf32, #tpu.memory_space<hbm>>
    %dma_wait3A_43 = arith.constant 0 : i32
    %dma_wait3A_44 = arith.constant 0 : i32
    %dma_wait3A_45 = tpu.memref_slice %arg4[%dma_wait3A_43, %dma_wait3A_44] : memref<16384x4096xf32, #tpu.memory_space<hbm>> -> memref<8x4096xf32, #tpu.memory_space<hbm>>
    tpu.wait_dma2 semaphore(%arg13 : memref<!tpu.dma_semaphore, #tpu.memory_space<semaphore_mem>>) src(%arg7 : memref<8x4096xf32, #tpu.memory_space<vmem>>) dst(%dma_wait3A_45 : memref<8x4096xf32, #tpu.memory_space<hbm>>)
    %dma_wait3A_46 = arith.constant 0 : i32
    %dma_wait3A_47 = arith.constant 0 : i32
    %dma_wait3A_48 = tpu.memref_slice %arg4[%dma_wait3A_46, %dma_wait3A_47] : memref<16384x4096xf32, #tpu.memory_space<hbm>> -> memref<8x4096xf32, #tpu.memory_space<hbm>>
    %dma_wait3A_49 = arith.constant 0 : i32
    %dma_wait3A_50 = arith.constant 0 : i32
    %dma_wait3A_51 = tpu.memref_slice %arg4[%dma_wait3A_49, %dma_wait3A_50] : memref<16384x4096xf32, #tpu.memory_space<hbm>> -> memref<8x4096xf32, #tpu.memory_space<hbm>>
    tpu.wait_dma2 semaphore(%arg14 : memref<!tpu.dma_semaphore, #tpu.memory_space<semaphore_mem>>) src(%arg8 : memref<8x4096xf32, #tpu.memory_space<vmem>>) dst(%dma_wait3A_51 : memref<8x4096xf32, #tpu.memory_space<hbm>>)
    return
  }
}

</mosaic_0001>

<sc_bundles>
// kernel: kernel.3.cloned.1.call-start
scs
__scs_entry_jumppad:
0x0: {  	(pc) =	sbr.rel $0x88, $3  }
0x1: {  	(tag) =	ssettag $0x0;
	lr =	simm.s32 $0x1  }
0x2: {  	[smem:$0x3F9F] =	sst lr;
	_ =	strace $0xD0000000  }
0x3: {  	_ = 	snop  }
0x4: {  	_ = 	snop  }
0x5: {  	_ = 	snop  }
0x6: {  	_ = 	snop  }
0x7: {  	_ = 	snop  }
__scs_overlays_trampoline_lowered:
0x8: {  	[smem:$0x3FAE] =	sst s0  }
0x9: {  	[smem:$0x3FAF] =	sst s1  }
0xa: {  	[smem:$0x3FB0] =	sst s2  }
0xb: {  	[smem:$0x3FB1] =	sst s3  }
0xc: {  	[smem:$0x3FB2] =	sst s4  }
0xd: {  	[smem:$0x3FB3] =	sst s5  }
0xe: {  	[smem:$0x3FB4] =	sst s6  }
0xf: {  	[smem:$0x3FB5] =	sst s7  }
0x10: {  	[smem:$0x3FB6] =	sst s8  }
0x11: {  	[smem:$0x3FB7] =	sst s9;
	s0 =	simm.s32 @!p0 $0x0  }
0x12: {  	s1 =	sld [smem:$0x3F9D];
	s0 =	simm.s32 @p0 $0x1  }
0x13: {  	[smem:$0x3FB8] =	sst s0;
	s0 =	simm.s32 @!p1 $0x0  }
0x14: {  	s2 =	sld [smem:$0x3F9C];
	s0 =	simm.s32 @p1 $0x1  }
0x15: {  	[smem:$0x3FB9] =	sst s0;
	s0 =	simm.s32 @!p2 $0x0  }
0x16: {  	s3 =	sld [smem:$0x3FDB];
	s0 =	simm.s32 @p2 $0x1  }
0x17: {  	s4 =	simm.s32 $0x1BF5;
	[smem:$0x3FBB] =	sst s0  }
0x18: {  	s0 =	sld [smem:$0x3F9E];
	_ =	swait.ge [sflag:s4], $0x0  }
0x19: {  	s7 =	sld [smem:$0x3F9F]  }
0x1a: {  	s8 =	sadd.s32 $0xFFFFE003, lr  }
0x1b: {  	s9 =	sadd.s32 $0xFFFFFEF7, lr;
	s5 =	simm.s32 $0xFFFFFFFF;
	p2 =	slt.u32 s8, $0xFFFFF086  }
0x1c: {  	p1 =	slt.u32 s9, $0xF7A;
	s5 =	simm.s32 @!p2 $0x0  }
0x1d: {  	s5 =	simm.s32 @p1 $0x1;
	p0 =	seq.s32 s7, s2  }
0x1e: {  	s7 =	smul.u32 @!p0 $0xF7A, s2;
	p2 =	seq.s32 @!p0 s5, $0x0  }
0x1f: {  	s9 =	smul.u32 $0xF7A, s1;
	s8 =	simm.s32 @!p0 $0x1BF5;
	p2 =	por !p2, p0  }
0x20: {  	[sflag:s8] =	ssyncset.s32 @!p0 $0xFFFFF086;
	s6 =	sadd.s32 @!p0 s3, s7;
	s7 =	simm.s32 @!p0 $0x108  }
0x21: {  	s3 =	sadd.s32 s3, s9;
	s6 =	sadd.s32 @!p0 $0x88, s6;
	s7 =	simm.s32 @p2 $0x1082  }
0x22: {  	[simem:s7], [sflag:s8] =	dma.local @!p0 [hbm:s6], $0xF7A  }
0x23: {  	s9 =	sor.u32 $0xD0000000, s2;
	s6 =	simm.s32 $0x108;
	_ =	swait.ge @!p0 [sflag:s8], $0x0  }
0x24: {  	s3 =	sadd.s32 $0x88, s3;
	s6 =	simm.s32 @!p1 $0x1082;
	[sflag:s4] =	ssyncset.s32 $0xFFFFF086  }
0x25: {  	[simem:s6], [sflag:s4] =	dma.local [hbm:s3], $0xF7A  }
0x26: {  	[smem:$0x3F9F] =	sst s1;
	(tag) =	ssettag s2;
	_ =	strace s9  }
0x27: {  	s1 =	sld [smem:$0x3FAF]  }
0x28: {  	s2 =	sld [smem:$0x3FB0]  }
0x29: {  	s4 =	sld [smem:$0x3FB2]  }
0x2a: {  	p0 =	seq.s32 s5, $0x0;
	s5 =	sld [smem:$0x3FB3]  }
0x2b: {  	s6 =	sld [smem:$0x3FB4]  }
0x2c: {  	s7 =	sld [smem:$0x3FB5]  }
0x2d: {  	s3 =	simm.s32 $0x108;
	s8 =	sld [smem:$0x3FB6]  }
0x2e: {  	s3 =	simm.s32 @!p0 $0x1082;
	s9 =	sld [smem:$0x3FB7]  }
0x2f: {  	lr =	sadd.s32 s0, s3;
	s0 =	sld [smem:$0x3FAE]  }
0x30: {  	s3 =	sld [smem:$0x3FB1]  }
0x31: {  	[smem:$0x3FBA] =	sst s10  }
0x32: {  	s10 =	sld [smem:$0x3FB8];
	_ =	sdelay $0x3  }
0x33: {  	p0 =	seq.s32 s10, $0x1;
	s10 =	sld [smem:$0x3FBA];
	_ =	sdelay $0x3  }
0x34: {  	[smem:$0x3FBA] =	sst s10  }
0x35: {  	s10 =	sld [smem:$0x3FB9];
	_ =	sdelay $0x3  }
0x36: {  	p1 =	seq.s32 s10, $0x1;
	s10 =	sld [smem:$0x3FBA];
	_ =	sdelay $0x3  }
0x37: {  	[smem:$0x3FBA] =	sst s10  }
0x38: {  	s10 =	sld [smem:$0x3FBB]  }
0x39: {  	_ = 	snop;
	(pc) =	sbr.ind lr, $3  }
0x3a: {  	_ = 	snop  }
0x3b: {  	_ = 	snop  }
0x3c: {  	p2 =	seq.s32 s10, $0x1;
	s10 =	sld [smem:$0x3FBA]  }
0x3d: {  	_ =	shalt  }
0x3e: {  	_ =	shalt  }
0x3f: {  	_ =	shalt  }
0x40: {  	_ =	shalt  }
0x41: {  	_ =	shalt  }
0x42: {  	_ =	shalt  }
0x43: {  	_ =	shalt  }
0x44: {  	_ =	shalt  }
0x45: {  	_ =	shalt  }
0x46: {  	_ =	shalt  }
0x47: {  	_ =	shalt  }
0x48: {  	_ =	shalt  }
0x49: {  	_ =	shalt  }
0x4a: {  	_ =	shalt  }
0x4b: {  	_ =	shalt  }
0x4c: {  	_ =	shalt  }
0x4d: {  	_ =	shalt  }
0x4e: {  	_ =	shalt  }
0x4f: {  	_ =	shalt  }
0x50: {  	_ =	shalt  }
0x51: {  	_ =	shalt  }
0x52: {  	_ =	shalt  }
0x53: {  	_ =	shalt  }
0x54: {  	_ =	shalt  }
0x55: {  	_ =	shalt  }
0x56: {  	_ =	shalt  }
0x57: {  	_ =	shalt  }
0x58: {  	_ =	shalt  }
0x59: {  	_ =	shalt  }
0x5a: {  	_ =	shalt  }
0x5b: {  	_ =	shalt  }
0x5c: {  	_ =	shalt  }
0x5d: {  	_ =	shalt  }
0x5e: {  	_ =	shalt  }
0x5f: {  	_ =	shalt  }
0x60: {  	_ =	shalt  }
0x61: {  	_ =	shalt  }
0x62: {  	_ =	shalt  }
0x63: {  	_ =	shalt  }
0x64: {  	_ =	shalt  }
0x65: {  	_ =	shalt  }
0x66: {  	_ =	shalt  }
0x67: {  	_ =	shalt  }
0x68: {  	_ =	shalt  }
0x69: {  	_ =	shalt  }
0x6a: {  	_ =	shalt  }
0x6b: {  	_ =	shalt  }
0x6c: {  	_ =	shalt  }
0x6d: {  	_ =	shalt  }
0x6e: {  	_ =	shalt  }
0x6f: {  	_ =	shalt  }
0x70: {  	_ =	shalt  }
0x71: {  	_ =	shalt  }
0x72: {  	_ =	shalt  }
0x73: {  	_ =	shalt  }
0x74: {  	_ =	shalt  }
0x75: {  	_ =	shalt  }
0x76: {  	_ =	shalt  }
0x77: {  	_ =	shalt  }
0x78: {  	_ =	shalt  }
0x79: {  	_ =	shalt  }
0x7a: {  	_ =	shalt  }
0x7b: {  	_ =	shalt  }
0x7c: {  	_ =	shalt  }
0x7d: {  	_ =	shalt  }
0x7e: {  	_ =	shalt  }
0x7f: {  	_ =	shalt  }
0x80: {  	_ =	shalt  }
0x81: {  	_ =	shalt  }
0x82: {  	_ =	shalt  }
0x83: {  	_ =	shalt  }
0x84: {  	_ =	shalt  }
0x85: {  	_ =	shalt  }
0x86: {  	_ =	shalt  }
0x87: {  	_ =	shalt  }
.Lfunc_end0:
.L_simem_size_0:
called_computation_lowered:
.L_overlay_start_0:
0x88: {  	s2 =	sld [smem:$0x3FD9]  }
0x89: {  	s3 =	sld [smem:$0x3FFE];
	_ =	sdelay $0x1  }
0x8a: {  	s1 =	srdreg.scid  }
0x8b: {  	s0 =	sand.u32 $0x1, s1  }
0x8c: {  	s17 =	sshll.u32 s0, $0xA;
	s2 =	sadd.s32 s3, s2  }
0x8d: {  	s2 =	sadd.s32 s2, s17  }
0x8e: {  	[smem:$0x3FC6] =	sst s2  }
0x8f: {  	_ = 	snop  }
0x90: {  	s2 =	sld [smem:$0x3FC8]  }
0x91: {  	s18 =	sld [smem:$0x3FD0];
	(tm) =	ssettm $0x1  }
0x92: {  	s4 =	sld [smem:$0x3FFB];
	_ =	sdelay $0x3  }
0x93: {  	_ =	strace s4  }
0x94: {  	s4 =	sld [smem:$0x3FFC];
	_ =	sdelay $0x3  }
0x95: {  	_ =	strace s4  }
0x96: {  	s4 =	sld [smem:$0x3FFD];
	_ =	sdelay $0x3  }
0x97: {  	_ =	strace s4  }
0x98: {  	_ =	strace $0x8FFFFFFF  }
0x99: {  	s19 =	sld [smem:$0x3FDB];
	_ =	sdelay $0x1  }
0x9a: {  	s5 =	simm.s32 $_scs_section_size  }
0x9b: {  	s6 =	simm.s32 $_size__tile_overlayer_lowered;
	s7 =	simm.s32 $_tile_overlayer_lowered  }
0x9c: {  	s22 =	simm.s32 $0x1BFF;
	s21 =	sshll.u32 s7, $0x1;
	s4 =	sadd.s32 s5, s19  }
0x9d: {  	s8 =	simm.s32 $0x0;
	s20 =	sshll.u32 s6, $0x1;
	s6 =	sadd.s32 s21, s4  }
0x9e: {  	[timem:s8], [sflag:s22] =	dma.local [hbm:s6], s20  }
0x9f: {  	_ =	swait.ge [sflag:s22], s20  }
0xa0: {  	s5 =	ssub.s32 $0x0, s20;
	[sflag:s22] =	ssyncset.done $0x0  }
0xa1: {  	[sflag:s22] =	ssyncadd.s32 s5;
	_ =	sdelay $0x1  }
0xa2: {  	s23 =	simm.s32 $0x1B8B  }
0xa3: {  	_ =	swait.ge [sflag:s23], $0x1  }
0xa4: {  	[sflag:s23] =	ssyncset.done $0x0  }
0xa5: {  	s25 =	simm.s32 $0x1B8E;
	s24 =	sld [smem:$0x3FFE];
	[sflag:s23] =	ssyncadd.s32 $0xFFFFFFFF  }
0xa6: {  	s26 =	simm.s32 $execute0_lowered;
	[smem:$0x3FD2] =	sst s25  }
0xa7: {  	s6 =	sshll.u32 s26, $0x1;
	_ =	strace $0x80000046;
	[dreg:$0x1] =	wrdreg $0xFFFFFFFF  }
0xa8: {  	s28 =	simm.s32 $_size_execute0_lowered;
	s4 =	sadd.s32 s4, s6;
	[dreg:$0x0] =	wrdreg $0x0  }
0xa9: {  	s6 =	sshll.u32 s28, $0x1;
	[dreg:$0x2] =	wrdreg s4  }
0xaa: {  	[dreg:$0x3] =	wrdreg s6  }
0xab: {  	[dreg:$0x4] =	wrdreg $0xC0  }
0xac: {  	_ =	task [dreg:s8], $0x5FFFF  }
0xad: {  	[dreg:$0x1] =	wrdreg $0xFFFFFFFF  }
0xae: {  	[dreg:$0x0] =	wrdreg $0x60  }
0xaf: {  	[dreg:$0x2] =	wrdreg s2  }
0xb0: {  	[dreg:$0x3] =	wrdreg s24  }
0xb1: {  	[dreg:$0x4] =	wrdreg s18  }
0xb2: {  	[dreg:$0x5] =	wrdreg $0x9  }
0xb3: {  	_ =	task.clear_ibuf [dreg:s8], $0x6FFFF;
	_ =	strace $0x90000046  }
0xb4: {  	s29 =	simm.s32 $0x9;
	_ =	strace $0x80000048  }
0xb5: {  	_ =	swait.ge [sflag:s29], $0x1  }
0xb6: {  	[sflag:s29] =	ssyncadd.s32 $0xFFFFFFFF  }
0xb7: {  	_ =	strace $0x90000048  }
0xb8: {  	_ =	sfence  }
0xb9: {  	s30 =	sld [smem:$0x0];
	_ =	sdelay $0x2  }
0xba: {  	s31 =	sshll.u32 s1, $0xD;
	s1 =	sshrl.u32 s1, $0x2  }
0xbb: {  	s3 =	sand.u32 $0x4000, s31;
	s1 =	sadd.s32 s1, s30  }
0xbc: {  	s0 =	sor.u32 s3, s0;
	s1 =	sshll.u32 s1, $0x11  }
0xbd: {  	s0 =	sor.u32 s1, s0  }
0xbe: {  	s0 =	sadd.s32 $0x8F2B, s0  }
0xbf: {  	[sflag:s0] =	ssyncadd.remote.s32 $0x1  }
0xc0: {  	_ =	sfence.sel $0xFFFF  }
0xc1: {  	[dreg:$0x0] =	wrdreg $0xFFFFFFFF;
	(pc) =	sbr.abs _section_cstart, $3  }
0xc2: {  	[dreg:$0x1] =	wrdreg $0xFFFFFFFF  }
0xc3: {  	_ =	task.clear_ibuf [dreg:s8], $0x2FFFF;
	_ =	strace $0x9FFFFFFF  }
0xc4: {  	(tm) =	ssettm $0x7FFFFFFF  }
0xc5: {  	_ =	shalt  }
tec
execute0_lowered:
.L_overlay_start_1:
0x0: {  	(tag) =	ssettag $0x1  }
0x1: {  	s1 =	rddreg [dreg:$0x0]  }
0x2: {  	s0 =	rddreg [dreg:$0x1];
	s2 =	srdreg.scid  }
0x3: {  	s21 =	stileid.u32;
	s4 =	rddreg [dreg:$0x2];
	s3 =	simm.s32 $0x0  }
0x4: {  	s24 =	simm.s32 $0x2000;
	s29 =	simm.s32 $0xA000;
	s30 =	simm.s32 $0x1  }
0x5: {  	s28 =	simm.s32 $0x12000;
	s23 =	simm.s32 $0x0;
	s2 =	sand.u32 $0x1, s2  }
0x6: {  	s5 =	sshll.u32 s21, $0x1;
	[smem:$0x7FF] =	sst s3;
	s7 =	sadd.s32 $0x300, s1  }
0x7: {  	s8 =	sadd.s32 $0x400, s1;
	s9 =	sadd.s32 $0x500, s1;
	s10 =	sadd.s32 $0x600, s1  }
0x8: {  	s11 =	sadd.s32 $0x700, s1;
	s12 =	sadd.s32 $0x800, s1;
	s13 =	sadd.s32 $0x900, s1  }
0x9: {  	s14 =	sadd.s32 $0xA00, s1;
	s15 =	sadd.s32 $0xB00, s1;
	s16 =	sadd.s32 $0xC00, s1  }
0xa: {  	s18 =	sadd.s32 $0xE00, s1;
	s19 =	sadd.s32 $0xF00, s1;
	s31 =	sshll.u32 s21, $0x13  }
0xb: {  	s17 =	sor.u32 s2, s5;
	s6 =	ssub.s32 $0x2, s2;
	_ =	strace $0x80000047  }
0xc: {  	s2 =	sshll.u32 s2, $0x12;
	s5 =	sshll.u32 s17, $0xA;
	s25 =	sshrl.u32 s6, $0x1  }
0xd: {  	s26 =	sshll.u32 s17, $0x12;
	s17 =	sadd.s32 $0xD00, s1;
	s0 =	sadd.s32 s5, s0  }
0xe: {  	s20 =	ssub.s32 s6, s25;
	s5 =	sadd.s32 $0x100, s1;
	s6 =	sadd.s32 $0x200, s1  }
.Ltmp0:
0xf: {  	s25 =	simm.s32 $0x2;
	s0 =	sadd.s32 $0x400, s0;
	(pc) =	sbr.rel .LBB2_1-.Ltmp0, $4  }
0x10: {  	s20 =	smax.u32 s20, $0x1;
	[dreg:$0x4] =	wrdreg s0;
	s0 =	sadd.s32 s26, s4  }
0x11: {  	v0 =	vlaneseq.u32;
	[dreg:$0x6] =	wrdreg s20;
	s26 =	simm.s32 $0x3;
	s0 =	sadd.s32 $0x3F000, s0  }
0x12: {  	v1 =	vshrl.u32 v0, $0x3;
	s20 =	simm.s32 $0x5;
	[dreg:$0x5] =	wrdreg s0;
	s0 =	sadd.s32 s31, s4  }
0x13: {  	vm0 =	vmmov $0xffff;
	v0 =	vand.u32 $0x7, v0;
	v1 =	vmul.u32 $0x8, v1;
	s4 =	simm.s32 $0x4;
	s22 =	sadd.s32 s2, s0;
	s0 =	simm.s32 $0x19800  }
.LBB2_4:
0x14: {  	_ =	swait.ge [sflag:s30], $0x8000  }
0x15: {  	[sflag:s30] =	ssyncset.done $0x0  }
0x16: {  	s2 =	rddreg [dreg:$0x5];
	[sflag:s30] =	ssyncadd.s32 $0xFFFF8000  }
0x17: {  	[hbm4b:s2+s3] =	stream.linear.scatter [tilespmem:s24], [sflag:$0x4], $0x8000, $0x38;
	[tilespmem:$0x1A000] =	vst v63  }
0x18: {  	_ =	swait.ge [sflag:s4], $0x8000  }
0x19: {  	[sflag:s4] =	ssyncset.done $0x0  }
0x1a: {  	[sflag:s4] =	ssyncadd.s32 $0xFFFF8000  }
0x1b: {  	_ =	swait.ge [sflag:s20], $0x8000  }
0x1c: {  	[sflag:s20] =	ssyncset.done $0x0  }
0x1d: {  	s21 =	simm.s32 $0x6;
	[sflag:s20] =	ssyncadd.s32 $0xFFFF8000  }
0x1e: {  	_ =	swait.ge [sflag:s21], $0x8000  }
0x1f: {  	s23 =	rddreg [dreg:$0x7]  }
0x20: {  	s31 =	rddreg [dreg:$0x6];
	s23 =	sadd.s32 $0x1, s23  }
0x21: {  	p0 =	sne.s32 s23, s31  }
.Ltmp1:
0x22: {  	_ = 	snop;
	(pc) =	sbr.rel @!p0 .LBB2_5-.Ltmp1, $3  }
0x23: {  	_ =	sdelay $0x1  }
0x24: {  	[sflag:s21] =	ssyncset.done $0x0  }
0x25: {  	[sflag:s21] =	ssyncadd.s32 $0xFFFF8000  }
.LBB2_1:
0x26: {  	[dreg:$0x7] =	wrdreg s23  }
0x27: {  	s2 =	rddreg [dreg:$0x4];
	s23 =	simm.s32 $0x7  }
0x28: {  	[tilespmem:s3], [sflag:$0x7] =	stream.linear.gather [hbm4b:s2+s3], $0x2000, $0x38;
	[tilespmem:$0x1A000] =	vst v63  }
0x29: {  	_ =	swait.ge [sflag:s23], $0x2000  }
0x2a: {  	[sflag:s23] =	ssyncset.done $0x0  }
0x2b: {  	[sflag:s23] =	ssyncadd.s32 $0xFFFFE000  }
0x2c: {  	v2 =	vld.msk [tilespmem:$0x0], $0xff;
	_ =	sdelay $0x4  }
0x2d: {  	v3 =	vshll.u32 v2, $0x5  }
0x2e: {  	v2 =	vand.u32 $0x7, v2;
	v3 =	vand.u32 $0xFFFFFF00, v3  }
0x2f: {  	v2 =	vor.u32 v2, v3  }
0x30: {  	v2 =	vperm.xlane v2, v0;
	_ =	sdelay $0x1  }
0x31: {  	v2 =	vadd.s32 v1, v2;
	_ =	sdelay $0x4  }
0x32: {  	[tilespmem:s24], [sflag:$0x1] =	stream.indirect_vreg.gather [hbm4b:s1+s3], $0x80, v2, vm0, $0xb8;
	[tilespmem:$0x1A000] =	vst v63  }
0x33: {  	s21 =	simm.s32 $0x2800  }
0x34: {  	[tilespmem:s21], [sflag:$0x1] =	stream.indirect_vreg.gather [hbm4b:s5+s3], $0x80, v2, vm0, $0xb8;
	[tilespmem:$0x1A000] =	vst v63  }
0x35: {  	s23 =	simm.s32 $0x3000  }
0x36: {  	[tilespmem:s23], [sflag:$0x1] =	stream.indirect_vreg.gather [hbm4b:s6+s3], $0x80, v2, vm0, $0xb8;
	[tilespmem:$0x1A000] =	vst v63  }
0x37: {  	s21 =	simm.s32 $0x3800  }
0x38: {  	[tilespmem:s21], [sflag:$0x1] =	stream.indirect_vreg.gather [hbm4b:s7+s3], $0x80, v2, vm0, $0xb8;
	[tilespmem:$0x1A000] =	vst v63  }
0x39: {  	s23 =	simm.s32 $0x4000  }
0x3a: {  	[tilespmem:s23], [sflag:$0x1] =	stream.indirect_vreg.gather [hbm4b:s8+s3], $0x80, v2, vm0, $0xb8;
	[tilespmem:$0x1A000] =	vst v63  }
0x3b: {  	s21 =	simm.s32 $0x4800  }
0x3c: {  	[tilespmem:s21], [sflag:$0x1] =	stream.indirect_vreg.gather [hbm4b:s9+s3], $0x80, v2, vm0, $0xb8;
	[tilespmem:$0x1A000] =	vst v63  }
0x3d: {  	s23 =	simm.s32 $0x5000  }
0x3e: {  	[tilespmem:s23], [sflag:$0x1] =	stream.indirect_vreg.gather [hbm4b:s10+s3], $0x80, v2, vm0, $0xb8;
	[tilespmem:$0x1A000] =	vst v63  }
0x3f: {  	s21 =	simm.s32 $0x5800  }
0x40: {  	[tilespmem:s21], [sflag:$0x1] =	stream.indirect_vreg.gather [hbm4b:s11+s3], $0x80, v2, vm0, $0xb8;
	[tilespmem:$0x1A000] =	vst v63  }
0x41: {  	s23 =	simm.s32 $0x6000  }
0x42: {  	[tilespmem:s23], [sflag:$0x1] =	stream.indirect_vreg.gather [hbm4b:s12+s3], $0x80, v2, vm0, $0xb8;
	[tilespmem:$0x1A000] =	vst v63  }
0x43: {  	s21 =	simm.s32 $0x6800  }
0x44: {  	[tilespmem:s21], [sflag:$0x1] =	stream.indirect_vreg.gather [hbm4b:s13+s3], $0x80, v2, vm0, $0xb8;
	[tilespmem:$0x1A000] =	vst v63  }
0x45: {  	s23 =	simm.s32 $0x7000  }
0x46: {  	[tilespmem:s23], [sflag:$0x1] =	stream.indirect_vreg.gather [hbm4b:s14+s3], $0x80, v2, vm0, $0xb8;
	[tilespmem:$0x1A000] =	vst v63  }
0x47: {  	s21 =	simm.s32 $0x7800  }
0x48: {  	[tilespmem:s21], [sflag:$0x1] =	stream.indirect_vreg.gather [hbm4b:s15+s3], $0x80, v2, vm0, $0xb8;
	[tilespmem:$0x1A000] =	vst v63  }
0x49: {  	s23 =	simm.s32 $0x8000  }
0x4a: {  	[tilespmem:s23], [sflag:$0x1] =	stream.indirect_vreg.gather [hbm4b:s16+s3], $0x80, v2, vm0, $0xb8;
	[tilespmem:$0x1A000] =	vst v63  }
0x4b: {  	s21 =	simm.s32 $0x8800  }
0x4c: {  	[tilespmem:s21], [sflag:$0x1] =	stream.indirect_vreg.gather [hbm4b:s17+s3], $0x80, v2, vm0, $0xb8;
	[tilespmem:$0x1A000] =	vst v63  }
0x4d: {  	s23 =	simm.s32 $0x9000  }
0x4e: {  	[tilespmem:s23], [sflag:$0x1] =	stream.indirect_vreg.gather [hbm4b:s18+s3], $0x80, v2, vm0, $0xb8;
	[tilespmem:$0x1A000] =	vst v63  }
0x4f: {  	s21 =	simm.s32 $0x9800  }
0x50: {  	[tilespmem:s21], [sflag:$0x1] =	stream.indirect_vreg.gather [hbm4b:s19+s3], $0x80, v2, vm0, $0xb8;
	[tilespmem:$0x1A000] =	vst v63  }
0x51: {  	v2 =	vld.msk [tilespmem:$0x80], $0xff;
	_ =	sdelay $0x4  }
0x52: {  	v3 =	vshll.u32 v2, $0x5  }
0x53: {  	v2 =	vand.u32 $0x7, v2;
	v3 =	vand.u32 $0xFFFFFF00, v3  }
0x54: {  	v2 =	vor.u32 v2, v3  }
0x55: {  	v2 =	vperm.xlane v2, v0;
	_ =	sdelay $0x1  }
0x56: {  	v2 =	vadd.s32 v1, v2;
	_ =	sdelay $0x4  }
0x57: {  	[tilespmem:s29], [sflag:$0x2] =	stream.indirect_vreg.gather [hbm4b:s1+s3], $0x80, v2, vm0, $0xb8;
	[tilespmem:$0x1A000] =	vst v63  }
0x58: {  	s23 =	simm.s32 $0xA800  }
0x59: {  	[tilespmem:s23], [sflag:$0x2] =	stream.indirect_vreg.gather [hbm4b:s5+s3], $0x80, v2, vm0, $0xb8;
	[tilespmem:$0x1A000] =	vst v63  }
0x5a: {  	s21 =	simm.s32 $0xB000  }
0x5b: {  	[tilespmem:s21], [sflag:$0x2] =	stream.indirect_vreg.gather [hbm4b:s6+s3], $0x80, v2, vm0, $0xb8;
	[tilespmem:$0x1A000] =	vst v63  }
0x5c: {  	s23 =	simm.s32 $0xB800  }
0x5d: {  	[tilespmem:s23], [sflag:$0x2] =	stream.indirect_vreg.gather [hbm4b:s7+s3], $0x80, v2, vm0, $0xb8;
	[tilespmem:$0x1A000] =	vst v63  }
0x5e: {  	s21 =	simm.s32 $0xC000  }
0x5f: {  	[tilespmem:s21], [sflag:$0x2] =	stream.indirect_vreg.gather [hbm4b:s8+s3], $0x80, v2, vm0, $0xb8;
	[tilespmem:$0x1A000] =	vst v63  }
0x60: {  	s23 =	simm.s32 $0xC800  }
0x61: {  	[tilespmem:s23], [sflag:$0x2] =	stream.indirect_vreg.gather [hbm4b:s9+s3], $0x80, v2, vm0, $0xb8;
	[tilespmem:$0x1A000] =	vst v63  }
0x62: {  	s21 =	simm.s32 $0xD000  }
0x63: {  	[tilespmem:s21], [sflag:$0x2] =	stream.indirect_vreg.gather [hbm4b:s10+s3], $0x80, v2, vm0, $0xb8;
	[tilespmem:$0x1A000] =	vst v63  }
0x64: {  	s23 =	simm.s32 $0xD800  }
0x65: {  	[tilespmem:s23], [sflag:$0x2] =	stream.indirect_vreg.gather [hbm4b:s11+s3], $0x80, v2, vm0, $0xb8;
	[tilespmem:$0x1A000] =	vst v63  }
0x66: {  	s21 =	simm.s32 $0xE000  }
0x67: {  	[tilespmem:s21], [sflag:$0x2] =	stream.indirect_vreg.gather [hbm4b:s12+s3], $0x80, v2, vm0, $0xb8;
	[tilespmem:$0x1A000] =	vst v63  }
0x68: {  	s23 =	simm.s32 $0xE800  }
0x69: {  	[tilespmem:s23], [sflag:$0x2] =	stream.indirect_vreg.gather [hbm4b:s13+s3], $0x80, v2, vm0, $0xb8;
	[tilespmem:$0x1A000] =	vst v63  }
0x6a: {  	s21 =	simm.s32 $0xF000  }
0x6b: {  	[tilespmem:s21], [sflag:$0x2] =	stream.indirect_vreg.gather [hbm4b:s14+s3], $0x80, v2, vm0, $0xb8;
	[tilespmem:$0x1A000] =	vst v63  }
0x6c: {  	s23 =	simm.s32 $0xF800  }
0x6d: {  	[tilespmem:s23], [sflag:$0x2] =	stream.indirect_vreg.gather [hbm4b:s15+s3], $0x80, v2, vm0, $0xb8;
	[tilespmem:$0x1A000] =	vst v63  }
0x6e: {  	s21 =	simm.s32 $0x10000  }
0x6f: {  	[tilespmem:s21], [sflag:$0x2] =	stream.indirect_vreg.gather [hbm4b:s16+s3], $0x80, v2, vm0, $0xb8;
	[tilespmem:$0x1A000] =	vst v63  }
0x70: {  	s23 =	simm.s32 $0x10800  }
0x71: {  	[tilespmem:s23], [sflag:$0x2] =	stream.indirect_vreg.gather [hbm4b:s17+s3], $0x80, v2, vm0, $0xb8;
	[tilespmem:$0x1A000] =	vst v63  }
0x72: {  	s21 =	simm.s32 $0x11000  }
0x73: {  	[tilespmem:s21], [sflag:$0x2] =	stream.indirect_vreg.gather [hbm4b:s18+s3], $0x80, v2, vm0, $0xb8;
	[tilespmem:$0x1A000] =	vst v63  }
0x74: {  	s31 =	simm.s32 $0x200;
	s23 =	simm.s32 $0x11800;
	s21 =	simm.s32 $0x0  }
0x75: {  	[tilespmem:s23], [sflag:$0x2] =	stream.indirect_vreg.gather [hbm4b:s19+s3], $0x80, v2, vm0, $0xb8;
	[tilespmem:$0x1A000] =	vst v63  }
.LBB2_2:
0x76: {  	_ =	swait.ge [sflag:s30], $0x8000  }
0x77: {  	p0 =	seq.s32 s21, $0x0;
	[sflag:s30] =	ssyncset.done $0x0  }
0x78: {  	s2 =	sadd.s32 s21, s22;
	s23 =	simm.s32 @!p0 $0x6;
	[sflag:s30] =	ssyncadd.s32 $0xFFFF8000  }
0x79: {  	[hbm4b:s2+s3] =	stream.linear.scatter [tilespmem:s24], [sflag:$0x4], $0x8000, $0x38;
	[tilespmem:$0x1A000] =	vst v63  }
0x7a: {  	_ =	swait.ge @!p0 [sflag:s23], $0x8000  }
0x7b: {  	[sflag:s23] =	ssyncset.done @!p0 $0x0  }
0x7c: {  	[sflag:s23] =	ssyncadd.s32 @!p0 $0xFFFF8000  }
0x7d: {  	v2 =	vld.msk [tilespmem:s31+$0xFFFFFF00], $0xff;
	_ =	sdelay $0x4  }
0x7e: {  	v3 =	vshll.u32 v2, $0x5  }
0x7f: {  	v2 =	vand.u32 $0x7, v2;
	v3 =	vand.u32 $0xFFFFFF00, v3  }
0x80: {  	v2 =	vor.u32 v2, v3  }
0x81: {  	v2 =	vperm.xlane v2, v0;
	_ =	sdelay $0x1  }
0x82: {  	v2 =	vadd.s32 v1, v2;
	_ =	sdelay $0x4  }
0x83: {  	[tilespmem:s28], [sflag:$0x3] =	stream.indirect_vreg.gather [hbm4b:s1+s3], $0x80, v2, vm0, $0xb8;
	[tilespmem:$0x1A000] =	vst v63  }
0x84: {  	s23 =	simm.s32 $0x12800  }
0x85: {  	[tilespmem:s23], [sflag:$0x3] =	stream.indirect_vreg.gather [hbm4b:s5+s3], $0x80, v2, vm0, $0xb8;
	[tilespmem:$0x1A000] =	vst v63  }
0x86: {  	s23 =	simm.s32 $0x13000  }
0x87: {  	[tilespmem:s23], [sflag:$0x3] =	stream.indirect_vreg.gather [hbm4b:s6+s3], $0x80, v2, vm0, $0xb8;
	[tilespmem:$0x1A000] =	vst v63  }
0x88: {  	s23 =	simm.s32 $0x13800  }
0x89: {  	[tilespmem:s23], [sflag:$0x3] =	stream.indirect_vreg.gather [hbm4b:s7+s3], $0x80, v2, vm0, $0xb8;
	[tilespmem:$0x1A000] =	vst v63  }
0x8a: {  	s23 =	simm.s32 $0x14000  }
0x8b: {  	[tilespmem:s23], [sflag:$0x3] =	stream.indirect_vreg.gather [hbm4b:s8+s3], $0x80, v2, vm0, $0xb8;
	[tilespmem:$0x1A000] =	vst v63  }
0x8c: {  	s23 =	simm.s32 $0x14800  }
0x8d: {  	[tilespmem:s23], [sflag:$0x3] =	stream.indirect_vreg.gather [hbm4b:s9+s3], $0x80, v2, vm0, $0xb8;
	[tilespmem:$0x1A000] =	vst v63  }
0x8e: {  	s23 =	simm.s32 $0x15000  }
0x8f: {  	[tilespmem:s23], [sflag:$0x3] =	stream.indirect_vreg.gather [hbm4b:s10+s3], $0x80, v2, vm0, $0xb8;
	[tilespmem:$0x1A000] =	vst v63  }
0x90: {  	s23 =	simm.s32 $0x15800  }
0x91: {  	[tilespmem:s23], [sflag:$0x3] =	stream.indirect_vreg.gather [hbm4b:s11+s3], $0x80, v2, vm0, $0xb8;
	[tilespmem:$0x1A000] =	vst v63  }
0x92: {  	s23 =	simm.s32 $0x16000  }
0x93: {  	[tilespmem:s23], [sflag:$0x3] =	stream.indirect_vreg.gather [hbm4b:s12+s3], $0x80, v2, vm0, $0xb8;
	[tilespmem:$0x1A000] =	vst v63  }
0x94: {  	s23 =	simm.s32 $0x16800  }
0x95: {  	[tilespmem:s23], [sflag:$0x3] =	stream.indirect_vreg.gather [hbm4b:s13+s3], $0x80, v2, vm0, $0xb8;
	[tilespmem:$0x1A000] =	vst v63  }
0x96: {  	s23 =	simm.s32 $0x17000  }
0x97: {  	[tilespmem:s23], [sflag:$0x3] =	stream.indirect_vreg.gather [hbm4b:s14+s3], $0x80, v2, vm0, $0xb8;
	[tilespmem:$0x1A000] =	vst v63  }
0x98: {  	s23 =	simm.s32 $0x17800  }
0x99: {  	[tilespmem:s23], [sflag:$0x3] =	stream.indirect_vreg.gather [hbm4b:s15+s3], $0x80, v2, vm0, $0xb8;
	[tilespmem:$0x1A000] =	vst v63  }
0x9a: {  	s23 =	simm.s32 $0x18000  }
0x9b: {  	[tilespmem:s23], [sflag:$0x3] =	stream.indirect_vreg.gather [hbm4b:s16+s3], $0x80, v2, vm0, $0xb8;
	[tilespmem:$0x1A000] =	vst v63  }
0x9c: {  	s23 =	simm.s32 $0x18800  }
0x9d: {  	[tilespmem:s23], [sflag:$0x3] =	stream.indirect_vreg.gather [hbm4b:s17+s3], $0x80, v2, vm0, $0xb8;
	[tilespmem:$0x1A000] =	vst v63  }
0x9e: {  	s23 =	simm.s32 $0x19000  }
0x9f: {  	[tilespmem:s23], [sflag:$0x3] =	stream.indirect_vreg.gather [hbm4b:s18+s3], $0x80, v2, vm0, $0xb8;
	[tilespmem:$0x1A000] =	vst v63  }
0xa0: {  	_ = 	snop  }
0xa1: {  	[tilespmem:s0], [sflag:$0x3] =	stream.indirect_vreg.gather [hbm4b:s19+s3], $0x80, v2, vm0, $0xb8;
	[tilespmem:$0x1A000] =	vst v63  }
0xa2: {  	_ =	swait.ge [sflag:s25], $0x8000  }
0xa3: {  	[sflag:s25] =	ssyncset.done $0x0  }
0xa4: {  	s23 =	sadd.s32 $0x1000, s2;
	[sflag:s25] =	ssyncadd.s32 $0xFFFF8000  }
0xa5: {  	[hbm4b:s23+s3] =	stream.linear.scatter [tilespmem:s29], [sflag:$0x5], $0x8000, $0x38;
	[tilespmem:$0x1A000] =	vst v63  }
0xa6: {  	_ =	swait.ge [sflag:s4], $0x8000  }
0xa7: {  	[sflag:s4] =	ssyncset.done $0x0  }
0xa8: {  	[sflag:s4] =	ssyncadd.s32 $0xFFFF8000  }
0xa9: {  	v2 =	vld.msk [tilespmem:s31+$0xFFFFFF80], $0xff;
	_ =	sdelay $0x4  }
0xaa: {  	v3 =	vshll.u32 v2, $0x5  }
0xab: {  	v2 =	vand.u32 $0x7, v2;
	v3 =	vand.u32 $0xFFFFFF00, v3  }
0xac: {  	v2 =	vor.u32 v2, v3  }
0xad: {  	v2 =	vperm.xlane v2, v0;
	_ =	sdelay $0x1  }
0xae: {  	v2 =	vadd.s32 v1, v2;
	_ =	sdelay $0x4  }
0xaf: {  	[tilespmem:s24], [sflag:$0x1] =	stream.indirect_vreg.gather [hbm4b:s1+s3], $0x80, v2, vm0, $0xb8;
	[tilespmem:$0x1A000] =	vst v63  }
0xb0: {  	s23 =	simm.s32 $0x2800  }
0xb1: {  	[tilespmem:s23], [sflag:$0x1] =	stream.indirect_vreg.gather [hbm4b:s5+s3], $0x80, v2, vm0, $0xb8;
	[tilespmem:$0x1A000] =	vst v63  }
0xb2: {  	s23 =	simm.s32 $0x3000  }
0xb3: {  	[tilespmem:s23], [sflag:$0x1] =	stream.indirect_vreg.gather [hbm4b:s6+s3], $0x80, v2, vm0, $0xb8;
	[tilespmem:$0x1A000] =	vst v63  }
0xb4: {  	s23 =	simm.s32 $0x3800  }
0xb5: {  	[tilespmem:s23], [sflag:$0x1] =	stream.indirect_vreg.gather [hbm4b:s7+s3], $0x80, v2, vm0, $0xb8;
	[tilespmem:$0x1A000] =	vst v63  }
0xb6: {  	s23 =	simm.s32 $0x4000  }
0xb7: {  	[tilespmem:s23], [sflag:$0x1] =	stream.indirect_vreg.gather [hbm4b:s8+s3], $0x80, v2, vm0, $0xb8;
	[tilespmem:$0x1A000] =	vst v63  }
0xb8: {  	s23 =	simm.s32 $0x4800  }
0xb9: {  	[tilespmem:s23], [sflag:$0x1] =	stream.indirect_vreg.gather [hbm4b:s9+s3], $0x80, v2, vm0, $0xb8;
	[tilespmem:$0x1A000] =	vst v63  }
0xba: {  	s23 =	simm.s32 $0x5000  }
0xbb: {  	[tilespmem:s23], [sflag:$0x1] =	stream.indirect_vreg.gather [hbm4b:s10+s3], $0x80, v2, vm0, $0xb8;
	[tilespmem:$0x1A000] =	vst v63  }
0xbc: {  	s23 =	simm.s32 $0x5800  }
0xbd: {  	[tilespmem:s23], [sflag:$0x1] =	stream.indirect_vreg.gather [hbm4b:s11+s3], $0x80, v2, vm0, $0xb8;
	[tilespmem:$0x1A000] =	vst v63  }
0xbe: {  	s23 =	simm.s32 $0x6000  }
0xbf: {  	[tilespmem:s23], [sflag:$0x1] =	stream.indirect_vreg.gather [hbm4b:s12+s3], $0x80, v2, vm0, $0xb8;
	[tilespmem:$0x1A000] =	vst v63  }
0xc0: {  	s23 =	simm.s32 $0x6800  }
0xc1: {  	[tilespmem:s23], [sflag:$0x1] =	stream.indirect_vreg.gather [hbm4b:s13+s3], $0x80, v2, vm0, $0xb8;
	[tilespmem:$0x1A000] =	vst v63  }
0xc2: {  	s23 =	simm.s32 $0x7000  }
0xc3: {  	[tilespmem:s23], [sflag:$0x1] =	stream.indirect_vreg.gather [hbm4b:s14+s3], $0x80, v2, vm0, $0xb8;
	[tilespmem:$0x1A000] =	vst v63  }
0xc4: {  	s23 =	simm.s32 $0x7800  }
0xc5: {  	[tilespmem:s23], [sflag:$0x1] =	stream.indirect_vreg.gather [hbm4b:s15+s3], $0x80, v2, vm0, $0xb8;
	[tilespmem:$0x1A000] =	vst v63  }
0xc6: {  	s23 =	simm.s32 $0x8000  }
0xc7: {  	[tilespmem:s23], [sflag:$0x1] =	stream.indirect_vreg.gather [hbm4b:s16+s3], $0x80, v2, vm0, $0xb8;
	[tilespmem:$0x1A000] =	vst v63  }
0xc8: {  	s23 =	simm.s32 $0x8800  }
0xc9: {  	[tilespmem:s23], [sflag:$0x1] =	stream.indirect_vreg.gather [hbm4b:s17+s3], $0x80, v2, vm0, $0xb8;
	[tilespmem:$0x1A000] =	vst v63  }
0xca: {  	s23 =	simm.s32 $0x9000  }
0xcb: {  	[tilespmem:s23], [sflag:$0x1] =	stream.indirect_vreg.gather [hbm4b:s18+s3], $0x80, v2, vm0, $0xb8;
	[tilespmem:$0x1A000] =	vst v63  }
0xcc: {  	p0 =	seq.s32 s21, $0x3C000;
	s23 =	simm.s32 $0x9800  }
0xcd: {  	[tilespmem:s23], [sflag:$0x1] =	stream.indirect_vreg.gather [hbm4b:s19+s3], $0x80, v2, vm0, $0xb8;
	[tilespmem:$0x1A000] =	vst v63  }
.Ltmp2:
0xce: {  	_ = 	snop;
	(pc) =	sbr.rel @p0 .LBB2_4-.Ltmp2, $4  }
0xcf: {  	_ =	swait.ge [sflag:s26], $0x8000  }
0xd0: {  	[sflag:s26] =	ssyncset.done $0x0  }
0xd1: {  	s2 =	sadd.s32 $0x2000, s2;
	[sflag:s26] =	ssyncadd.s32 $0xFFFF8000  }
0xd2: {  	[hbm4b:s2+s3] =	stream.linear.scatter [tilespmem:s28], [sflag:$0x6], $0x8000, $0x38;
	[tilespmem:$0x1A000] =	vst v63  }
0xd3: {  	_ =	swait.ge [sflag:s20], $0x8000  }
0xd4: {  	[sflag:s20] =	ssyncset.done $0x0  }
0xd5: {  	[sflag:s20] =	ssyncadd.s32 $0xFFFF8000  }
0xd6: {  	v2 =	vld.msk [tilespmem:s31+$0x0], $0xff;
	_ =	sdelay $0x4  }
0xd7: {  	v3 =	vshll.u32 v2, $0x5  }
0xd8: {  	v2 =	vand.u32 $0x7, v2;
	v3 =	vand.u32 $0xFFFFFF00, v3  }
0xd9: {  	v2 =	vor.u32 v2, v3  }
0xda: {  	v2 =	vperm.xlane v2, v0;
	_ =	sdelay $0x1  }
0xdb: {  	v2 =	vadd.s32 v1, v2;
	_ =	sdelay $0x4  }
0xdc: {  	[tilespmem:s29], [sflag:$0x2] =	stream.indirect_vreg.gather [hbm4b:s1+s3], $0x80, v2, vm0, $0xb8;
	[tilespmem:$0x1A000] =	vst v63  }
0xdd: {  	s2 =	simm.s32 $0xA800  }
0xde: {  	[tilespmem:s2], [sflag:$0x2] =	stream.indirect_vreg.gather [hbm4b:s5+s3], $0x80, v2, vm0, $0xb8;
	[tilespmem:$0x1A000] =	vst v63  }
0xdf: {  	s23 =	simm.s32 $0xB000  }
0xe0: {  	[tilespmem:s23], [sflag:$0x2] =	stream.indirect_vreg.gather [hbm4b:s6+s3], $0x80, v2, vm0, $0xb8;
	[tilespmem:$0x1A000] =	vst v63  }
0xe1: {  	s23 =	simm.s32 $0xB800  }
0xe2: {  	[tilespmem:s23], [sflag:$0x2] =	stream.indirect_vreg.gather [hbm4b:s7+s3], $0x80, v2, vm0, $0xb8;
	[tilespmem:$0x1A000] =	vst v63  }
0xe3: {  	s23 =	simm.s32 $0xC000  }
0xe4: {  	[tilespmem:s23], [sflag:$0x2] =	stream.indirect_vreg.gather [hbm4b:s8+s3], $0x80, v2, vm0, $0xb8;
	[tilespmem:$0x1A000] =	vst v63  }
0xe5: {  	s23 =	simm.s32 $0xC800  }
0xe6: {  	[tilespmem:s23], [sflag:$0x2] =	stream.indirect_vreg.gather [hbm4b:s9+s3], $0x80, v2, vm0, $0xb8;
	[tilespmem:$0x1A000] =	vst v63  }
0xe7: {  	s23 =	simm.s32 $0xD000  }
0xe8: {  	[tilespmem:s23], [sflag:$0x2] =	stream.indirect_vreg.gather [hbm4b:s10+s3], $0x80, v2, vm0, $0xb8;
	[tilespmem:$0x1A000] =	vst v63  }
0xe9: {  	s23 =	simm.s32 $0xD800  }
0xea: {  	[tilespmem:s23], [sflag:$0x2] =	stream.indirect_vreg.gather [hbm4b:s11+s3], $0x80, v2, vm0, $0xb8;
	[tilespmem:$0x1A000] =	vst v63  }
0xeb: {  	s23 =	simm.s32 $0xE000  }
0xec: {  	[tilespmem:s23], [sflag:$0x2] =	stream.indirect_vreg.gather [hbm4b:s12+s3], $0x80, v2, vm0, $0xb8;
	[tilespmem:$0x1A000] =	vst v63  }
0xed: {  	s23 =	simm.s32 $0xE800  }
0xee: {  	[tilespmem:s23], [sflag:$0x2] =	stream.indirect_vreg.gather [hbm4b:s13+s3], $0x80, v2, vm0, $0xb8;
	[tilespmem:$0x1A000] =	vst v63  }
0xef: {  	s23 =	simm.s32 $0xF000  }
0xf0: {  	[tilespmem:s23], [sflag:$0x2] =	stream.indirect_vreg.gather [hbm4b:s14+s3], $0x80, v2, vm0, $0xb8;
	[tilespmem:$0x1A000] =	vst v63  }
0xf1: {  	s23 =	simm.s32 $0xF800  }
0xf2: {  	[tilespmem:s23], [sflag:$0x2] =	stream.indirect_vreg.gather [hbm4b:s15+s3], $0x80, v2, vm0, $0xb8;
	[tilespmem:$0x1A000] =	vst v63  }
0xf3: {  	s23 =	simm.s32 $0x10000  }
0xf4: {  	[tilespmem:s23], [sflag:$0x2] =	stream.indirect_vreg.gather [hbm4b:s16+s3], $0x80, v2, vm0, $0xb8;
	[tilespmem:$0x1A000] =	vst v63  }
0xf5: {  	s23 =	simm.s32 $0x10800  }
0xf6: {  	[tilespmem:s23], [sflag:$0x2] =	stream.indirect_vreg.gather [hbm4b:s17+s3], $0x80, v2, vm0, $0xb8;
	[tilespmem:$0x1A000] =	vst v63  }
.Ltmp3:
0xf7: {  	_ = 	snop;
	(pc) =	sbr.rel .LBB2_2-.Ltmp3, $4  }
0xf8: {  	s23 =	simm.s32 $0x11000  }
0xf9: {  	[tilespmem:s23], [sflag:$0x2] =	stream.indirect_vreg.gather [hbm4b:s18+s3], $0x80, v2, vm0, $0xb8;
	[tilespmem:$0x1A000] =	vst v63  }
0xfa: {  	s21 =	sadd.s32 $0x3000, s21;
	s31 =	sadd.s32 $0x180, s31;
	s23 =	simm.s32 $0x11800  }
0xfb: {  	[tilespmem:s23], [sflag:$0x2] =	stream.indirect_vreg.gather [hbm4b:s19+s3], $0x80, v2, vm0, $0xb8;
	[tilespmem:$0x1A000] =	vst v63  }
.LBB2_5:
0xfc: {  	_ =	sfence.sel $0x180000  }
0xfd: {  	[bflag:$0x0] =	sbarrier.arrive $0xFFFF  }
0xfe: {  	_ =	strace $0x90000047  }
0xff: {  	s0 =	stileid.u32;
	[bflag:$0x2] =	sbarrier.arrive $0xFFFF  }
0x100: {  	p0 =	sne.s32 s0, $0x0;
	s0 =	rddreg [dreg:$0x3]  }
0x101: {  	s0 =	sadd.s32 @!p0 $0x100000, s0  }
0x102: {  	[sflag:s0] =	ssyncadd.tile.s32 @!p0 $0x1;
	_ =	shalt  }
.Lfunc_end2:
_tile_overlayer_lowered:
.L_overlay_start_2:
0x103: {  	(tag) =	ssettag $0x2  }
0x104: {  	s0 =	rddreg [dreg:$0x0];
	s2 =	stileid.u32  }
0x105: {  	s1 =	rddreg [dreg:$0x1];
	p0 =	sne.s32 s2, $0x0  }
0x106: {  	s3 =	rddreg [dreg:$0x2];
	[bflag:$0x3] =	sbarrier.arrive $0xFFFF;
	s2 =	simm.s32 @!p0 $0x1C07  }
0x107: {  	[timem:s3], [sflag:s2] =	dma.local @!p0 [hbm:s0], s1  }
0x108: {  	s0 =	simm.s32 @!p0 $0x7  }
0x109: {  	_ =	swait.ge @!p0 [sflag:s0], s1  }
0x10a: {  	s1 =	ssub.s32 @!p0 $0x0, s1;
	[sflag:s0] =	ssyncset.done @!p0 $0x0  }
0x10b: {  	[sflag:s0] =	ssyncadd.s32 @!p0 s1  }
0x10c: {  	[bflag:$0x3] =	sbarrier.arrive $0xFFFF  }
0x10d: {  	_ =	shalt  }

</sc_bundles>
